<compile_context>
chip_gen: v7x
topology: tpu7x:2x2x1
jax: 0.10.2.dev20260603
libtpu: 0.0.44.dev20260713+nightly
codegen_flags: <defaults>
</compile_context>

<pallas_src>
import jax
import jax.numpy as jnp
from jax import lax
from jax.experimental import pallas as pl
from jax.experimental.pallas import tpu as pltpu
from jax.experimental.pallas import tpu_sc as plsc

NUM_LAYERS = 32
DIM = 2048
TTL = 1024
HALF_LIFE = 256.0
LN2 = 0.6931471805599453
LANES = 16
NCHUNK = TTL // LANES
BIG = 2 ** 30


def _sc_weights(cs_hbm, bs_hbm, bc_hbm,
                w_hbm, vsum_hbm, minkey_hbm, minempty_hbm, wpay_hbm,
                bs_v, bc_v, w_v, i_v, f_v):
    l = lax.axis_index("c") * 16 + lax.axis_index("s")
    pltpu.sync_copy(cs_hbm, i_v)
    pltpu.sync_copy(bs_hbm.at[l], bs_v)
    pltpu.sync_copy(bc_hbm.at[l], bc_v)

    def body(i, carry):
        vsum, minkey, minempty, wpay = carry
        idx = lax.iota(jnp.int32, LANES) + i * LANES
        bs16 = bs_v[pl.ds(i * LANES, LANES)]
        bc16 = bc_v[pl.ds(i * LANES, LANES)]
        age = jnp.maximum(i_v[...] - bs16, 0).astype(jnp.float32)
        w16 = jnp.where(bs16 >= 0,
                        jnp.exp(age * (-LN2 / HALF_LIFE)) * bc16, 0.0)
        w_v[pl.ds(i * LANES, LANES)] = w16
        vsum = vsum + w16
        key = (bs16 + 2) * TTL + idx
        wpay = jnp.where(key < minkey, w16, wpay)
        minkey = jnp.minimum(minkey, key)
        minempty = jnp.minimum(minempty, jnp.where(bs16 == -1, idx, BIG))
        return vsum, minkey, minempty, wpay

    vsum, minkey, minempty, wpay = lax.fori_loop(
        0, NCHUNK, body,
        (jnp.zeros((LANES,), jnp.float32),
         jnp.full((LANES,), BIG, jnp.int32),
         jnp.full((LANES,), BIG, jnp.int32),
         jnp.zeros((LANES,), jnp.float32)))

    pltpu.sync_copy(w_v, w_hbm.at[l])
    f_v[...] = vsum
    pltpu.sync_copy(f_v, vsum_hbm.at[l])
    i_v[...] = minkey
    pltpu.sync_copy(i_v, minkey_hbm.at[l])
    i_v[...] = minempty
    pltpu.sync_copy(i_v, minempty_hbm.at[l])
    f_v[...] = wpay
    pltpu.sync_copy(f_v, wpay_hbm.at[l])


def _sc_weights_call(cs, bank_step, bank_event_count):
    fn = pl.kernel(
        _sc_weights,
        out_type=[
            jax.ShapeDtypeStruct((NUM_LAYERS, TTL), jnp.float32),
            jax.ShapeDtypeStruct((NUM_LAYERS, LANES), jnp.float32),
            jax.ShapeDtypeStruct((NUM_LAYERS, LANES), jnp.int32),
            jax.ShapeDtypeStruct((NUM_LAYERS, LANES), jnp.int32),
            jax.ShapeDtypeStruct((NUM_LAYERS, LANES), jnp.float32),
        ],
        mesh=plsc.VectorSubcoreMesh(core_axis_name="c", subcore_axis_name="s"),
        scratch_types=[
            pltpu.VMEM((TTL,), jnp.int32),
            pltpu.VMEM((TTL,), jnp.float32),
            pltpu.VMEM((TTL,), jnp.float32),
            pltpu.VMEM((LANES,), jnp.int32),
            pltpu.VMEM((LANES,), jnp.float32),
        ],
    )
    return fn(cs, bank_step, bank_event_count)


K_CHUNK = 512
NK = TTL // K_CHUNK


def _tc_body(ec_ref, vsum_ref, minkey_ref, minempty_ref, wpay_ref,
             w_ref, ev_ref, bank_ref, out_ref):
    l = pl.program_id(0)
    k = pl.program_id(1)
    ec = ec_ref[l]

    minempty = minempty_ref[0]
    minkey = minkey_ref[0]
    first_empty = jnp.min(minempty)
    minkey_min = jnp.min(minkey)
    oldest = minkey_min & (TTL - 1)
    slot = jnp.where(first_empty < BIG, first_empty, oldest)

    w = w_ref[0, 0]
    iota = lax.broadcasted_iota(jnp.int32, (1, K_CHUNK), 1) + k * K_CHUNK
    wz = jnp.where(iota == slot, 0.0, w)

    partial = jnp.dot(wz, bank_ref[0], preferred_element_type=jnp.float32)

    @pl.when(k == 0)
    def _():
        out_ref[0] = partial

    @pl.when(k > 0)
    def _():
        out_ref[0] = out_ref[0] + partial

    @pl.when(k == NK - 1)
    def _():
        w_oldest = jnp.sum(jnp.where(minkey == minkey_min, wpay_ref[0], 0.0))
        w_slot = jnp.where(first_empty < BIG, 0.0, w_oldest)
        ws = jnp.sum(vsum_ref[0]) - w_slot + ec
        acc = out_ref[0] + ec * ev_ref[0]
        res = acc / jnp.maximum(ws, 1e-12)
        out_ref[0] = jnp.where(ws > 0, res, jnp.zeros_like(res))


def kernel(evidence, event_counts, current_step, bank_evidence, bank_step,
           bank_event_count):
    cs = jnp.full((LANES,), current_step, dtype=jnp.int32)
    w_raw, vsum, minkey, minempty, wpay = _sc_weights_call(
        cs, bank_step, bank_event_count)

    w4 = w_raw.reshape(NUM_LAYERS, NK, 1, K_CHUNK)
    ev3 = evidence.reshape(NUM_LAYERS, 1, DIM)
    vsum3 = vsum.reshape(NUM_LAYERS, 1, LANES)
    minkey3 = minkey.reshape(NUM_LAYERS, 1, LANES)
    minempty3 = minempty.reshape(NUM_LAYERS, 1, LANES)
    wpay3 = wpay.reshape(NUM_LAYERS, 1, LANES)

    lane_spec = pl.BlockSpec((1, 1, LANES), lambda l, k: (l, 0, 0))
    out = pl.pallas_call(
        _tc_body,
        grid=(NUM_LAYERS, NK),
        in_specs=[
            pl.BlockSpec(memory_space=pltpu.SMEM),
            lane_spec,
            lane_spec,
            lane_spec,
            lane_spec,
            pl.BlockSpec((1, 1, 1, K_CHUNK), lambda l, k: (l, k, 0, 0)),
            pl.BlockSpec((1, 1, DIM), lambda l, k: (l, 0, 0)),
            pl.BlockSpec((1, K_CHUNK, DIM), lambda l, k: (l, k, 0)),
        ],
        out_specs=pl.BlockSpec((1, 1, DIM), lambda l, k: (l, 0, 0)),
        out_shape=jax.ShapeDtypeStruct((NUM_LAYERS, 1, DIM), jnp.float32),
        compiler_params=pltpu.CompilerParams(
            dimension_semantics=("parallel", "arbitrary"),
        ),
    )(event_counts, vsum3, minkey3, minempty3, wpay3, w4, ev3, bank_evidence)
    return out.reshape(NUM_LAYERS, DIM)

# --- scband reference (transcript-rebuilt; emitter-appended) ---
"""Pipeline reference for scband-criticality-distillation-51711406244005 (READ-ONLY COPY).

The authoritative reference and input builder live on the scoring server;
editing this copy changes nothing except your own understanding.
"""

import jax, jax.numpy as jnp
import numpy as np

NUM_LAYERS = 32
DIM = 2048
TTL = 1024
HALF_LIFE = 256.0


def setup_inputs(seed: int = 0) -> dict:
    key = jax.random.key(seed)
    k1, k2, k3, k4, k5, k6 = jax.random.split(key, 6)
    evidence = jax.random.normal(k1, (NUM_LAYERS, DIM), dtype=jnp.float32)
    event_counts = jax.random.uniform(k2, (NUM_LAYERS,), dtype=jnp.float32) * 10.0
    # mechanism state buffers (registered buffers in the torch module)
    bank_evidence = jax.random.normal(k3, (NUM_LAYERS, TTL, DIM), dtype=jnp.float32)
    steps = jax.random.randint(k4, (NUM_LAYERS, TTL), 0, 400)
    empty_mask = jax.random.uniform(k5, (NUM_LAYERS, TTL)) < 0.05
    bank_step = jnp.where(empty_mask, -1, steps).astype(jnp.int32)
    bank_event_count = jnp.where(
        empty_mask, 0.0, jax.random.uniform(k6, (NUM_LAYERS, TTL)) * 8.0
    ).astype(jnp.float32)
    return {
        'evidence': evidence,
        'event_counts': event_counts,
        'current_step': 500,
        'bank_evidence': bank_evidence,
        'bank_step': bank_step,
        'bank_event_count': bank_event_count,
    }


def reference(evidence, event_counts, current_step, bank_evidence, bank_step, bank_event_count):
    L = bank_step.shape[0]
    rows = jnp.arange(L)
    # --- add_step_evidence, batched over layers ---
    # slot rule: first empty slot if any, else evict oldest (argmin of bank_step)
    empty = bank_step == -1
    has_empty = jnp.any(empty, axis=1)
    first_empty = jnp.argmax(empty, axis=1)  # smallest empty index
    oldest = jnp.argmin(bank_step, axis=1)
    slot = jnp.where(has_empty, first_empty, oldest)
    be = bank_evidence.at[rows, slot].set(evidence)
    bs = bank_step.at[rows, slot].set(jnp.int32(current_step))
    bc = bank_event_count.at[rows, slot].set(event_counts)
    # --- score(current_step) ---
    valid = (bs >= 0).astype(jnp.float32)
    age = jnp.clip(current_step - bs, 0, None).astype(jnp.float32)
    age_weight = jnp.exp2(-age / HALF_LIFE) * valid
    count_weight = age_weight * bc
    weight_sum = jnp.sum(count_weight, axis=1, keepdims=True)
    weighted_evidence = jnp.sum(count_weight[..., None] * be, axis=1)
    safe_denom = jnp.clip(weight_sum, 1e-12, None)
    score = weighted_evidence / safe_denom
    score = jnp.where(weight_sum > 0, score, jnp.zeros_like(score))
    return score

if __name__ == "__main__":
    import jax
    _d = setup_inputs()
    print(jax.jit(kernel)(*tuple(_d.values())))

</pallas_src>

<mosaic_0001>
#map = affine_map<(d0, d1) -> (0)>
#map1 = affine_map<(d0, d1) -> (0, 0)>
module attributes {stable_mosaic.version = 14 : i64} {
  func.func @_sc_weights(%arg0: i32, %arg1: i32, %arg2: memref<16xi32, #tpu.memory_space<hbm>>, %arg3: memref<32x1024xi32, #tpu.memory_space<hbm>>, %arg4: memref<32x1024xf32, #tpu.memory_space<hbm>>, %arg5: memref<32x1024xf32, #tpu.memory_space<hbm>>, %arg6: memref<32x16xf32, #tpu.memory_space<hbm>>, %arg7: memref<32x16xi32, #tpu.memory_space<hbm>>, %arg8: memref<32x16xi32, #tpu.memory_space<hbm>>, %arg9: memref<32x16xf32, #tpu.memory_space<hbm>>, %arg10: memref<1024xi32, #tpu.memory_space<vmem>>, %arg11: memref<1024xf32, #tpu.memory_space<vmem>>, %arg12: memref<1024xf32, #tpu.memory_space<vmem>>, %arg13: memref<16xi32, #tpu.memory_space<vmem>>, %arg14: memref<16xf32, #tpu.memory_space<vmem>>) attributes {dimension_semantics = [#tpu.dimension_semantics<core_parallel>, #tpu.dimension_semantics<subcore_parallel>], iteration_bounds = array<i64: 2, 16>, scalar_prefetch = 0 : i64, scratch_operands = 5 : i64, tpu.core_type = #tpu.core_type<sc_vector_subcore>, window_params = [{transform_indices = #map}, {transform_indices = #map1}, {transform_indices = #map1}, {transform_indices = #map1}, {transform_indices = #map1}, {transform_indices = #map1}, {transform_indices = #map1}, {transform_indices = #map1}]} {
    %mul3A = arith.constant 16 : i32
    %mul3A_0 = arith.muli %arg0, %mul3A : i32
    %add3A = arith.addi %mul3A_0, %arg1 : i32
    "tpu.region"() ({
      %run_scoped3A = tpu.sem_alloc : memref<!tpu.dma_semaphore, #tpu.memory_space<semaphore_mem>>
      tpu.enqueue_dma source(%arg2 : memref<16xi32, #tpu.memory_space<hbm>>) target(%arg13 : memref<16xi32, #tpu.memory_space<vmem>>) target_semaphore(%run_scoped3A : memref<!tpu.dma_semaphore, #tpu.memory_space<semaphore_mem>>)
      tpu.wait_dma2 semaphore(%run_scoped3A : memref<!tpu.dma_semaphore, #tpu.memory_space<semaphore_mem>>) src(%arg2 : memref<16xi32, #tpu.memory_space<hbm>>) dst(%arg13 : memref<16xi32, #tpu.memory_space<vmem>>)
      tpu.yield
    }) : () -> ()
    "tpu.region"() ({
      %run_scoped3A = tpu.sem_alloc : memref<!tpu.dma_semaphore, #tpu.memory_space<semaphore_mem>>
      %dma_start3A = arith.constant 0 : i32
      %dma_start3A_28 = tpu.memref_slice %arg3[%add3A, %dma_start3A] : memref<32x1024xi32, #tpu.memory_space<hbm>> -> memref<1x1024xi32, #tpu.memory_space<hbm>>
      %dma_start3A_29 = tpu.memref_squeeze %dma_start3A_28 : memref<1x1024xi32, #tpu.memory_space<hbm>> -> memref<1024xi32, #tpu.memory_space<hbm>>
      %dma_start3A_30 = arith.constant 0 : i32
      %dma_start3A_31 = tpu.memref_slice %arg3[%add3A, %dma_start3A_30] : memref<32x1024xi32, #tpu.memory_space<hbm>> -> memref<1x1024xi32, #tpu.memory_space<hbm>>
      %dma_start3A_32 = tpu.memref_squeeze %dma_start3A_31 : memref<1x1024xi32, #tpu.memory_space<hbm>> -> memref<1024xi32, #tpu.memory_space<hbm>>
      tpu.enqueue_dma source(%dma_start3A_32 : memref<1024xi32, #tpu.memory_space<hbm>>) target(%arg10 : memref<1024xi32, #tpu.memory_space<vmem>>) target_semaphore(%run_scoped3A : memref<!tpu.dma_semaphore, #tpu.memory_space<semaphore_mem>>)
      %dma_wait3A = arith.constant 0 : i32
      %dma_wait3A_33 = tpu.memref_slice %arg3[%add3A, %dma_wait3A] : memref<32x1024xi32, #tpu.memory_space<hbm>> -> memref<1x1024xi32, #tpu.memory_space<hbm>>
      %dma_wait3A_34 = tpu.memref_squeeze %dma_wait3A_33 : memref<1x1024xi32, #tpu.memory_space<hbm>> -> memref<1024xi32, #tpu.memory_space<hbm>>
      %dma_wait3A_35 = arith.constant 0 : i32
      %dma_wait3A_36 = tpu.memref_slice %arg3[%add3A, %dma_wait3A_35] : memref<32x1024xi32, #tpu.memory_space<hbm>> -> memref<1x1024xi32, #tpu.memory_space<hbm>>
      %dma_wait3A_37 = tpu.memref_squeeze %dma_wait3A_36 : memref<1x1024xi32, #tpu.memory_space<hbm>> -> memref<1024xi32, #tpu.memory_space<hbm>>
      tpu.wait_dma2 semaphore(%run_scoped3A : memref<!tpu.dma_semaphore, #tpu.memory_space<semaphore_mem>>) src(%dma_wait3A_37 : memref<1024xi32, #tpu.memory_space<hbm>>) dst(%arg10 : memref<1024xi32, #tpu.memory_space<vmem>>)
      tpu.yield
    }) : () -> ()
    "tpu.region"() ({
      %run_scoped3A = tpu.sem_alloc : memref<!tpu.dma_semaphore, #tpu.memory_space<semaphore_mem>>
      %dma_start3A = arith.constant 0 : i32
      %dma_start3A_28 = tpu.memref_slice %arg4[%add3A, %dma_start3A] : memref<32x1024xf32, #tpu.memory_space<hbm>> -> memref<1x1024xf32, #tpu.memory_space<hbm>>
      %dma_start3A_29 = tpu.memref_squeeze %dma_start3A_28 : memref<1x1024xf32, #tpu.memory_space<hbm>> -> memref<1024xf32, #tpu.memory_space<hbm>>
      %dma_start3A_30 = arith.constant 0 : i32
      %dma_start3A_31 = tpu.memref_slice %arg4[%add3A, %dma_start3A_30] : memref<32x1024xf32, #tpu.memory_space<hbm>> -> memref<1x1024xf32, #tpu.memory_space<hbm>>
      %dma_start3A_32 = tpu.memref_squeeze %dma_start3A_31 : memref<1x1024xf32, #tpu.memory_space<hbm>> -> memref<1024xf32, #tpu.memory_space<hbm>>
      tpu.enqueue_dma source(%dma_start3A_32 : memref<1024xf32, #tpu.memory_space<hbm>>) target(%arg11 : memref<1024xf32, #tpu.memory_space<vmem>>) target_semaphore(%run_scoped3A : memref<!tpu.dma_semaphore, #tpu.memory_space<semaphore_mem>>)
      %dma_wait3A = arith.constant 0 : i32
      %dma_wait3A_33 = tpu.memref_slice %arg4[%add3A, %dma_wait3A] : memref<32x1024xf32, #tpu.memory_space<hbm>> -> memref<1x1024xf32, #tpu.memory_space<hbm>>
      %dma_wait3A_34 = tpu.memref_squeeze %dma_wait3A_33 : memref<1x1024xf32, #tpu.memory_space<hbm>> -> memref<1024xf32, #tpu.memory_space<hbm>>
      %dma_wait3A_35 = arith.constant 0 : i32
      %dma_wait3A_36 = tpu.memref_slice %arg4[%add3A, %dma_wait3A_35] : memref<32x1024xf32, #tpu.memory_space<hbm>> -> memref<1x1024xf32, #tpu.memory_space<hbm>>
      %dma_wait3A_37 = tpu.memref_squeeze %dma_wait3A_36 : memref<1x1024xf32, #tpu.memory_space<hbm>> -> memref<1024xf32, #tpu.memory_space<hbm>>
      tpu.wait_dma2 semaphore(%run_scoped3A : memref<!tpu.dma_semaphore, #tpu.memory_space<semaphore_mem>>) src(%dma_wait3A_37 : memref<1024xf32, #tpu.memory_space<hbm>>) dst(%arg11 : memref<1024xf32, #tpu.memory_space<vmem>>)
      tpu.yield
    }) : () -> ()
    %broadcast_in_dim3A = arith.constant 0.000000e+00 : f32
    %broadcast_in_dim3A_1 = vector.broadcast %broadcast_in_dim3A : f32 to vector<16xf32>
    %broadcast_in_dim3A_2 = arith.constant 1073741824 : i32
    %broadcast_in_dim3A_3 = vector.broadcast %broadcast_in_dim3A_2 : i32 to vector<16xi32>
    %broadcast_in_dim3A_4 = arith.constant 1073741824 : i32
    %broadcast_in_dim3A_5 = vector.broadcast %broadcast_in_dim3A_4 : i32 to vector<16xi32>
    %broadcast_in_dim3A_6 = arith.constant 0.000000e+00 : f32
    %broadcast_in_dim3A_7 = vector.broadcast %broadcast_in_dim3A_6 : f32 to vector<16xf32>
    %scan3A = arith.constant 0 : i32
    %scan3A_8 = arith.constant 64 : i32
    %scan3A_9 = arith.addi %scan3A, %scan3A_8 : i32
    %scan3A_10 = arith.constant 1 : i32
    %scan3A_11:4 = scf.for %scan3A_28 = %scan3A to %scan3A_9 step %scan3A_10 iter_args(%scan3A_29 = %broadcast_in_dim3A_1, %scan3A_30 = %broadcast_in_dim3A_3, %scan3A_31 = %broadcast_in_dim3A_5, %scan3A_32 = %broadcast_in_dim3A_7) -> (vector<16xf32>, vector<16xi32>, vector<16xi32>, vector<16xf32>)  : i32 {
      %iota3A = tpu.iota {dimensions = array<i32: 0>} : vector<16xi32>
      %mul3A_33 = arith.constant 16 : i32
      %mul3A_34 = arith.muli %scan3A_28, %mul3A_33 : i32
      %add3A_35 = vector.broadcast %mul3A_34 : i32 to vector<16xi32>
      %add3A_36 = arith.addi %iota3A, %add3A_35 : vector<16xi32>
      %mul3A_37 = arith.constant 16 : i32
      %mul3A_38 = arith.muli %scan3A_28, %mul3A_37 : i32
      %get3A = arith.index_cast %mul3A_38 : i32 to index
      %get3A_39 = tpu.vector_load %arg10[%get3A] {strides = array<i32>} : memref<1024xi32, #tpu.memory_space<vmem>>, vector<16xi32>,
      %get3A_40 = vector.shape_cast %get3A_39 : vector<16xi32> to vector<16xi32>
      %mul3A_41 = arith.constant 16 : i32
      %mul3A_42 = arith.muli %scan3A_28, %mul3A_41 : i32
      %get3A_43 = arith.index_cast %mul3A_42 : i32 to index
      %get3A_44 = tpu.vector_load %arg11[%get3A_43] {strides = array<i32>} : memref<1024xf32, #tpu.memory_space<vmem>>, vector<16xf32>,
      %get3A_45 = vector.shape_cast %get3A_44 : vector<16xf32> to vector<16xf32>
      %get3A_46 = arith.constant 0 : index
      %get3A_47 = tpu.vector_load %arg13[%get3A_46] {strides = array<i32>} : memref<16xi32, #tpu.memory_space<vmem>>, vector<16xi32>,
      %get3A_48 = vector.shape_cast %get3A_47 : vector<16xi32> to vector<16xi32>
      %sub3A = arith.subi %get3A_48, %get3A_40 : vector<16xi32>
      %max3A = arith.constant 0 : i32
      %max3A_49 = vector.broadcast %max3A : i32 to vector<16xi32>
      %max3A_50 = arith.maxsi %sub3A, %max3A_49 : vector<16xi32>
      %convert_element_type3A = arith.sitofp %max3A_50 : vector<16xi32> to vector<16xf32>
      %ge3A = arith.constant 0 : i32
      %ge3A_51 = vector.broadcast %ge3A : i32 to vector<16xi32>
      %ge3A_52 = arith.cmpi sge, %get3A_40, %ge3A_51 : vector<16xi32>
      %mul3A_53 = arith.constant -0.00270760618 : f32
      %mul3A_54 = vector.broadcast %mul3A_53 : f32 to vector<16xf32>
      %mul3A_55 = arith.mulf %convert_element_type3A, %mul3A_54 : vector<16xf32>
      %exp3A = math.exp %mul3A_55 : vector<16xf32>
      %mul3A_56 = arith.mulf %exp3A, %get3A_45 : vector<16xf32>
      %jit3A = arith.constant 0.000000e+00 : f32
      %broadcast_in_dim3A_57 = vector.broadcast %jit3A : f32 to vector<16xf32>
      %select_n3A = arith.select %ge3A_52, %mul3A_56, %broadcast_in_dim3A_57 : vector<16xi1>, vector<16xf32>
      %mul3A_58 = arith.constant 16 : i32
      %mul3A_59 = arith.muli %scan3A_28, %mul3A_58 : i32
      %swap3A_60 = arith.index_cast %mul3A_59 : i32 to index
      %swap3A_61 = tpu.vector_load %arg12[%swap3A_60] {strides = array<i32>} : memref<1024xf32, #tpu.memory_space<vmem>>, vector<16xf32>,
      %swap3A_62 = vector.shape_cast %swap3A_61 : vector<16xf32> to vector<16xf32>
      %swap3A_63 = vector.shape_cast %select_n3A : vector<16xf32> to vector<16xf32>
      tpu.vector_store %arg12[%swap3A_60], %swap3A_63 {strides = array<i32>} : memref<1024xf32, #tpu.memory_space<vmem>>, vector<16xf32>,
      %add3A_64 = arith.addf %scan3A_29, %select_n3A : vector<16xf32>
      %add3A_65 = arith.constant 2 : i32
      %add3A_66 = vector.broadcast %add3A_65 : i32 to vector<16xi32>
      %add3A_67 = arith.addi %get3A_40, %add3A_66 : vector<16xi32>
      %mul3A_68 = arith.constant 1024 : i32
      %mul3A_69 = vector.broadcast %mul3A_68 : i32 to vector<16xi32>
      %mul3A_70 = arith.muli %add3A_67, %mul3A_69 : vector<16xi32>
      %add3A_71 = arith.addi %mul3A_70, %add3A_36 : vector<16xi32>
      %lt3A = arith.cmpi slt, %add3A_71, %scan3A_30 : vector<16xi32>
      %select_n3A_72 = arith.select %lt3A, %select_n3A, %scan3A_32 : vector<16xi1>, vector<16xf32>
      %min3A = arith.minsi %scan3A_30, %add3A_71 : vector<16xi32>
      %eq3A = arith.constant -1 : i32
      %eq3A_73 = vector.broadcast %eq3A : i32 to vector<16xi32>
      %eq3A_74 = arith.cmpi eq, %get3A_40, %eq3A_73 : vector<16xi32>
      %jit3A_75 = arith.constant 1073741824 : i32
      %broadcast_in_dim3A_76 = vector.broadcast %jit3A_75 : i32 to vector<16xi32>
      %select_n3A_77 = arith.select %eq3A_74, %add3A_36, %broadcast_in_dim3A_76 : vector<16xi1>, vector<16xi32>
      %min3A_78 = arith.minsi %scan3A_31, %select_n3A_77 : vector<16xi32>
      scf.yield %add3A_64, %min3A, %min3A_78, %select_n3A_72 : vector<16xf32>, vector<16xi32>, vector<16xi32>, vector<16xf32>
    }
    %scan3A_12 = arith.constant 64 : i32
    "tpu.region"() ({
      %run_scoped3A = tpu.sem_alloc : memref<!tpu.dma_semaphore, #tpu.memory_space<semaphore_mem>>
      %dma_start3A = arith.constant 0 : i32
      %dma_start3A_28 = tpu.memref_slice %arg5[%add3A, %dma_start3A] : memref<32x1024xf32, #tpu.memory_space<hbm>> -> memref<1x1024xf32, #tpu.memory_space<hbm>>
      %dma_start3A_29 = tpu.memref_squeeze %dma_start3A_28 : memref<1x1024xf32, #tpu.memory_space<hbm>> -> memref<1024xf32, #tpu.memory_space<hbm>>
      %dma_start3A_30 = arith.constant 0 : i32
      %dma_start3A_31 = tpu.memref_slice %arg5[%add3A, %dma_start3A_30] : memref<32x1024xf32, #tpu.memory_space<hbm>> -> memref<1x1024xf32, #tpu.memory_space<hbm>>
      %dma_start3A_32 = tpu.memref_squeeze %dma_start3A_31 : memref<1x1024xf32, #tpu.memory_space<hbm>> -> memref<1024xf32, #tpu.memory_space<hbm>>
      tpu.enqueue_dma source(%arg12 : memref<1024xf32, #tpu.memory_space<vmem>>) target(%dma_start3A_32 : memref<1024xf32, #tpu.memory_space<hbm>>) target_semaphore(%run_scoped3A : memref<!tpu.dma_semaphore, #tpu.memory_space<semaphore_mem>>)
      %dma_wait3A = arith.constant 0 : i32
      %dma_wait3A_33 = tpu.memref_slice %arg5[%add3A, %dma_wait3A] : memref<32x1024xf32, #tpu.memory_space<hbm>> -> memref<1x1024xf32, #tpu.memory_space<hbm>>
      %dma_wait3A_34 = tpu.memref_squeeze %dma_wait3A_33 : memref<1x1024xf32, #tpu.memory_space<hbm>> -> memref<1024xf32, #tpu.memory_space<hbm>>
      %dma_wait3A_35 = arith.constant 0 : i32
      %dma_wait3A_36 = tpu.memref_slice %arg5[%add3A, %dma_wait3A_35] : memref<32x1024xf32, #tpu.memory_space<hbm>> -> memref<1x1024xf32, #tpu.memory_space<hbm>>
      %dma_wait3A_37 = tpu.memref_squeeze %dma_wait3A_36 : memref<1x1024xf32, #tpu.memory_space<hbm>> -> memref<1024xf32, #tpu.memory_space<hbm>>
      tpu.wait_dma2 semaphore(%run_scoped3A : memref<!tpu.dma_semaphore, #tpu.memory_space<semaphore_mem>>) src(%arg12 : memref<1024xf32, #tpu.memory_space<vmem>>) dst(%dma_wait3A_37 : memref<1024xf32, #tpu.memory_space<hbm>>)
      tpu.yield
    }) : () -> ()
    %swap3A = arith.constant 0 : index
    %swap3A_13 = tpu.vector_load %arg14[%swap3A] {strides = array<i32>} : memref<16xf32, #tpu.memory_space<vmem>>, vector<16xf32>,
    %swap3A_14 = vector.shape_cast %swap3A_13 : vector<16xf32> to vector<16xf32>
    %swap3A_15 = vector.shape_cast %scan3A_11#0 : vector<16xf32> to vector<16xf32>
    tpu.vector_store %arg14[%swap3A], %swap3A_15 {strides = array<i32>} : memref<16xf32, #tpu.memory_space<vmem>>, vector<16xf32>,
    "tpu.region"() ({
      %run_scoped3A = tpu.sem_alloc : memref<!tpu.dma_semaphore, #tpu.memory_space<semaphore_mem>>
      %dma_start3A = arith.constant 0 : i32
      %dma_start3A_28 = tpu.memref_slice %arg6[%add3A, %dma_start3A] : memref<32x16xf32, #tpu.memory_space<hbm>> -> memref<1x16xf32, #tpu.memory_space<hbm>>
      %dma_start3A_29 = tpu.memref_squeeze %dma_start3A_28 : memref<1x16xf32, #tpu.memory_space<hbm>> -> memref<16xf32, #tpu.memory_space<hbm>>
      %dma_start3A_30 = arith.constant 0 : i32
      %dma_start3A_31 = tpu.memref_slice %arg6[%add3A, %dma_start3A_30] : memref<32x16xf32, #tpu.memory_space<hbm>> -> memref<1x16xf32, #tpu.memory_space<hbm>>
      %dma_start3A_32 = tpu.memref_squeeze %dma_start3A_31 : memref<1x16xf32, #tpu.memory_space<hbm>> -> memref<16xf32, #tpu.memory_space<hbm>>
      tpu.enqueue_dma source(%arg14 : memref<16xf32, #tpu.memory_space<vmem>>) target(%dma_start3A_32 : memref<16xf32, #tpu.memory_space<hbm>>) target_semaphore(%run_scoped3A : memref<!tpu.dma_semaphore, #tpu.memory_space<semaphore_mem>>)
      %dma_wait3A = arith.constant 0 : i32
      %dma_wait3A_33 = tpu.memref_slice %arg6[%add3A, %dma_wait3A] : memref<32x16xf32, #tpu.memory_space<hbm>> -> memref<1x16xf32, #tpu.memory_space<hbm>>
      %dma_wait3A_34 = tpu.memref_squeeze %dma_wait3A_33 : memref<1x16xf32, #tpu.memory_space<hbm>> -> memref<16xf32, #tpu.memory_space<hbm>>
      %dma_wait3A_35 = arith.constant 0 : i32
      %dma_wait3A_36 = tpu.memref_slice %arg6[%add3A, %dma_wait3A_35] : memref<32x16xf32, #tpu.memory_space<hbm>> -> memref<1x16xf32, #tpu.memory_space<hbm>>
      %dma_wait3A_37 = tpu.memref_squeeze %dma_wait3A_36 : memref<1x16xf32, #tpu.memory_space<hbm>> -> memref<16xf32, #tpu.memory_space<hbm>>
      tpu.wait_dma2 semaphore(%run_scoped3A : memref<!tpu.dma_semaphore, #tpu.memory_space<semaphore_mem>>) src(%arg14 : memref<16xf32, #tpu.memory_space<vmem>>) dst(%dma_wait3A_37 : memref<16xf32, #tpu.memory_space<hbm>>)
      tpu.yield
    }) : () -> ()
    %swap3A_16 = arith.constant 0 : index
    %swap3A_17 = tpu.vector_load %arg13[%swap3A_16] {strides = array<i32>} : memref<16xi32, #tpu.memory_space<vmem>>, vector<16xi32>,
    %swap3A_18 = vector.shape_cast %swap3A_17 : vector<16xi32> to vector<16xi32>
    %swap3A_19 = vector.shape_cast %scan3A_11#1 : vector<16xi32> to vector<16xi32>
    tpu.vector_store %arg13[%swap3A_16], %swap3A_19 {strides = array<i32>} : memref<16xi32, #tpu.memory_space<vmem>>, vector<16xi32>,
    "tpu.region"() ({
      %run_scoped3A = tpu.sem_alloc : memref<!tpu.dma_semaphore, #tpu.memory_space<semaphore_mem>>
      %dma_start3A = arith.constant 0 : i32
      %dma_start3A_28 = tpu.memref_slice %arg7[%add3A, %dma_start3A] : memref<32x16xi32, #tpu.memory_space<hbm>> -> memref<1x16xi32, #tpu.memory_space<hbm>>
      %dma_start3A_29 = tpu.memref_squeeze %dma_start3A_28 : memref<1x16xi32, #tpu.memory_space<hbm>> -> memref<16xi32, #tpu.memory_space<hbm>>
      %dma_start3A_30 = arith.constant 0 : i32
      %dma_start3A_31 = tpu.memref_slice %arg7[%add3A, %dma_start3A_30] : memref<32x16xi32, #tpu.memory_space<hbm>> -> memref<1x16xi32, #tpu.memory_space<hbm>>
      %dma_start3A_32 = tpu.memref_squeeze %dma_start3A_31 : memref<1x16xi32, #tpu.memory_space<hbm>> -> memref<16xi32, #tpu.memory_space<hbm>>
      tpu.enqueue_dma source(%arg13 : memref<16xi32, #tpu.memory_space<vmem>>) target(%dma_start3A_32 : memref<16xi32, #tpu.memory_space<hbm>>) target_semaphore(%run_scoped3A : memref<!tpu.dma_semaphore, #tpu.memory_space<semaphore_mem>>)
      %dma_wait3A = arith.constant 0 : i32
      %dma_wait3A_33 = tpu.memref_slice %arg7[%add3A, %dma_wait3A] : memref<32x16xi32, #tpu.memory_space<hbm>> -> memref<1x16xi32, #tpu.memory_space<hbm>>
      %dma_wait3A_34 = tpu.memref_squeeze %dma_wait3A_33 : memref<1x16xi32, #tpu.memory_space<hbm>> -> memref<16xi32, #tpu.memory_space<hbm>>
      %dma_wait3A_35 = arith.constant 0 : i32
      %dma_wait3A_36 = tpu.memref_slice %arg7[%add3A, %dma_wait3A_35] : memref<32x16xi32, #tpu.memory_space<hbm>> -> memref<1x16xi32, #tpu.memory_space<hbm>>
      %dma_wait3A_37 = tpu.memref_squeeze %dma_wait3A_36 : memref<1x16xi32, #tpu.memory_space<hbm>> -> memref<16xi32, #tpu.memory_space<hbm>>
      tpu.wait_dma2 semaphore(%run_scoped3A : memref<!tpu.dma_semaphore, #tpu.memory_space<semaphore_mem>>) src(%arg13 : memref<16xi32, #tpu.memory_space<vmem>>) dst(%dma_wait3A_37 : memref<16xi32, #tpu.memory_space<hbm>>)
      tpu.yield
    }) : () -> ()
    %swap3A_20 = arith.constant 0 : index
    %swap3A_21 = tpu.vector_load %arg13[%swap3A_20] {strides = array<i32>} : memref<16xi32, #tpu.memory_space<vmem>>, vector<16xi32>,
    %swap3A_22 = vector.shape_cast %swap3A_21 : vector<16xi32> to vector<16xi32>
    %swap3A_23 = vector.shape_cast %scan3A_11#2 : vector<16xi32> to vector<16xi32>
    tpu.vector_store %arg13[%swap3A_20], %swap3A_23 {strides = array<i32>} : memref<16xi32, #tpu.memory_space<vmem>>, vector<16xi32>,
    "tpu.region"() ({
      %run_scoped3A = tpu.sem_alloc : memref<!tpu.dma_semaphore, #tpu.memory_space<semaphore_mem>>
      %dma_start3A = arith.constant 0 : i32
      %dma_start3A_28 = tpu.memref_slice %arg8[%add3A, %dma_start3A] : memref<32x16xi32, #tpu.memory_space<hbm>> -> memref<1x16xi32, #tpu.memory_space<hbm>>
      %dma_start3A_29 = tpu.memref_squeeze %dma_start3A_28 : memref<1x16xi32, #tpu.memory_space<hbm>> -> memref<16xi32, #tpu.memory_space<hbm>>
      %dma_start3A_30 = arith.constant 0 : i32
      %dma_start3A_31 = tpu.memref_slice %arg8[%add3A, %dma_start3A_30] : memref<32x16xi32, #tpu.memory_space<hbm>> -> memref<1x16xi32, #tpu.memory_space<hbm>>
      %dma_start3A_32 = tpu.memref_squeeze %dma_start3A_31 : memref<1x16xi32, #tpu.memory_space<hbm>> -> memref<16xi32, #tpu.memory_space<hbm>>
      tpu.enqueue_dma source(%arg13 : memref<16xi32, #tpu.memory_space<vmem>>) target(%dma_start3A_32 : memref<16xi32, #tpu.memory_space<hbm>>) target_semaphore(%run_scoped3A : memref<!tpu.dma_semaphore, #tpu.memory_space<semaphore_mem>>)
      %dma_wait3A = arith.constant 0 : i32
      %dma_wait3A_33 = tpu.memref_slice %arg8[%add3A, %dma_wait3A] : memref<32x16xi32, #tpu.memory_space<hbm>> -> memref<1x16xi32, #tpu.memory_space<hbm>>
      %dma_wait3A_34 = tpu.memref_squeeze %dma_wait3A_33 : memref<1x16xi32, #tpu.memory_space<hbm>> -> memref<16xi32, #tpu.memory_space<hbm>>
      %dma_wait3A_35 = arith.constant 0 : i32
      %dma_wait3A_36 = tpu.memref_slice %arg8[%add3A, %dma_wait3A_35] : memref<32x16xi32, #tpu.memory_space<hbm>> -> memref<1x16xi32, #tpu.memory_space<hbm>>
      %dma_wait3A_37 = tpu.memref_squeeze %dma_wait3A_36 : memref<1x16xi32, #tpu.memory_space<hbm>> -> memref<16xi32, #tpu.memory_space<hbm>>
      tpu.wait_dma2 semaphore(%run_scoped3A : memref<!tpu.dma_semaphore, #tpu.memory_space<semaphore_mem>>) src(%arg13 : memref<16xi32, #tpu.memory_space<vmem>>) dst(%dma_wait3A_37 : memref<16xi32, #tpu.memory_space<hbm>>)
      tpu.yield
    }) : () -> ()
    %swap3A_24 = arith.constant 0 : index
    %swap3A_25 = tpu.vector_load %arg14[%swap3A_24] {strides = array<i32>} : memref<16xf32, #tpu.memory_space<vmem>>, vector<16xf32>,
    %swap3A_26 = vector.shape_cast %swap3A_25 : vector<16xf32> to vector<16xf32>
    %swap3A_27 = vector.shape_cast %scan3A_11#3 : vector<16xf32> to vector<16xf32>
    tpu.vector_store %arg14[%swap3A_24], %swap3A_27 {strides = array<i32>} : memref<16xf32, #tpu.memory_space<vmem>>, vector<16xf32>,
    "tpu.region"() ({
      %run_scoped3A = tpu.sem_alloc : memref<!tpu.dma_semaphore, #tpu.memory_space<semaphore_mem>>
      %dma_start3A = arith.constant 0 : i32
      %dma_start3A_28 = tpu.memref_slice %arg9[%add3A, %dma_start3A] : memref<32x16xf32, #tpu.memory_space<hbm>> -> memref<1x16xf32, #tpu.memory_space<hbm>>
      %dma_start3A_29 = tpu.memref_squeeze %dma_start3A_28 : memref<1x16xf32, #tpu.memory_space<hbm>> -> memref<16xf32, #tpu.memory_space<hbm>>
      %dma_start3A_30 = arith.constant 0 : i32
      %dma_start3A_31 = tpu.memref_slice %arg9[%add3A, %dma_start3A_30] : memref<32x16xf32, #tpu.memory_space<hbm>> -> memref<1x16xf32, #tpu.memory_space<hbm>>
      %dma_start3A_32 = tpu.memref_squeeze %dma_start3A_31 : memref<1x16xf32, #tpu.memory_space<hbm>> -> memref<16xf32, #tpu.memory_space<hbm>>
      tpu.enqueue_dma source(%arg14 : memref<16xf32, #tpu.memory_space<vmem>>) target(%dma_start3A_32 : memref<16xf32, #tpu.memory_space<hbm>>) target_semaphore(%run_scoped3A : memref<!tpu.dma_semaphore, #tpu.memory_space<semaphore_mem>>)
      %dma_wait3A = arith.constant 0 : i32
      %dma_wait3A_33 = tpu.memref_slice %arg9[%add3A, %dma_wait3A] : memref<32x16xf32, #tpu.memory_space<hbm>> -> memref<1x16xf32, #tpu.memory_space<hbm>>
      %dma_wait3A_34 = tpu.memref_squeeze %dma_wait3A_33 : memref<1x16xf32, #tpu.memory_space<hbm>> -> memref<16xf32, #tpu.memory_space<hbm>>
      %dma_wait3A_35 = arith.constant 0 : i32
      %dma_wait3A_36 = tpu.memref_slice %arg9[%add3A, %dma_wait3A_35] : memref<32x16xf32, #tpu.memory_space<hbm>> -> memref<1x16xf32, #tpu.memory_space<hbm>>
      %dma_wait3A_37 = tpu.memref_squeeze %dma_wait3A_36 : memref<1x16xf32, #tpu.memory_space<hbm>> -> memref<16xf32, #tpu.memory_space<hbm>>
      tpu.wait_dma2 semaphore(%run_scoped3A : memref<!tpu.dma_semaphore, #tpu.memory_space<semaphore_mem>>) src(%arg14 : memref<16xf32, #tpu.memory_space<vmem>>) dst(%dma_wait3A_37 : memref<16xf32, #tpu.memory_space<hbm>>)
      tpu.yield
    }) : () -> ()
    return
  }
}

module attributes {stable_mosaic.version = 14 : i64} {
  func.func @_tc_body(%arg0: i32, %arg1: i32, %arg2: memref<32xf32, #tpu.memory_space<smem>>, %arg3: memref<1x1x16xf32, #tpu.memory_space<vmem>>, %arg4: memref<1x1x16xi32, #tpu.memory_space<vmem>>, %arg5: memref<1x1x16xi32, #tpu.memory_space<vmem>>, %arg6: memref<1x1x16xf32, #tpu.memory_space<vmem>>, %arg7: memref<1x1x1x512xf32, #tpu.memory_space<vmem>>, %arg8: memref<1x1x2048xf32, #tpu.memory_space<vmem>>, %arg9: memref<1x512x2048xf32, #tpu.memory_space<vmem>>, %arg10: memref<1x1x2048xf32, #tpu.memory_space<vmem>>) attributes {dimension_semantics = [#tpu.dimension_semantics<parallel>, #tpu.dimension_semantics<arbitrary>], iteration_bounds = array<i64: 32, 2>, scalar_prefetch = 0 : i64, scratch_operands = 0 : i64, tpu.core_type = #tpu.core_type<tc>, window_params = [{transform_indices = @transform_0, window_bounds = array<i64: 32>}, {transform_indices = @transform_1, window_bounds = array<i64: 1, 1, 16>}, {transform_indices = @transform_2, window_bounds = array<i64: 1, 1, 16>}, {transform_indices = @transform_3, window_bounds = array<i64: 1, 1, 16>}, {transform_indices = @transform_4, window_bounds = array<i64: 1, 1, 16>}, {transform_indices = @transform_5, window_bounds = array<i64: 1, 1, 1, 512>}, {transform_indices = @transform_6, window_bounds = array<i64: 1, 1, 2048>}, {transform_indices = @transform_7, window_bounds = array<i64: 1, 512, 2048>}, {transform_indices = @transform_8, window_bounds = array<i64: 1, 1, 2048>}]} {
    %get3A = arith.index_cast %arg0 : i32 to index
    %get3A_0 = memref.load %arg2[%get3A] : memref<32xf32, #tpu.memory_space<smem>>
    %get3A_1 = arith.constant 0 : index
    %get3A_2 = arith.constant 0 : index
    %get3A_3 = arith.constant 0 : index
    %get3A_4 = vector.load %arg5[%get3A_1, %get3A_2, %get3A_3] : memref<1x1x16xi32, #tpu.memory_space<vmem>>, vector<1x1x16xi32>
    %get3A_5 = vector.shape_cast %get3A_4 : vector<1x1x16xi32> to vector<1x16xi32>
    %get3A_6 = arith.constant 0 : index
    %get3A_7 = arith.constant 0 : index
    %get3A_8 = arith.constant 0 : index
    %get3A_9 = vector.load %arg4[%get3A_6, %get3A_7, %get3A_8] : memref<1x1x16xi32, #tpu.memory_space<vmem>>, vector<1x1x16xi32>
    %get3A_10 = vector.shape_cast %get3A_9 : vector<1x1x16xi32> to vector<1x16xi32>
    %reduce_min3A = vector.shape_cast %get3A_5 : vector<1x16xi32> to vector<1x1x16xi32>
    %reduce_min3A_11 = arith.constant dense<2147483647> : vector<1xi32>
    %reduce_min3A_12 = vector.multi_reduction <minsi>, %reduce_min3A, %reduce_min3A_11 [1, 2] : vector<1x1x16xi32> to vector<1xi32>
    %reduce_min3A_13 = vector.shape_cast %reduce_min3A_12 : vector<1xi32> to vector<1x1x1xi32>
    %reduce_min3A_14 = vector.extract %reduce_min3A_13[0, 0, 0] : i32 from vector<1x1x1xi32>
    %reduce_min3A_15 = vector.shape_cast %get3A_10 : vector<1x16xi32> to vector<1x1x16xi32>
    %reduce_min3A_16 = arith.constant dense<2147483647> : vector<1xi32>
    %reduce_min3A_17 = vector.multi_reduction <minsi>, %reduce_min3A_15, %reduce_min3A_16 [1, 2] : vector<1x1x16xi32> to vector<1xi32>
    %reduce_min3A_18 = vector.shape_cast %reduce_min3A_17 : vector<1xi32> to vector<1x1x1xi32>
    %reduce_min3A_19 = vector.extract %reduce_min3A_18[0, 0, 0] : i32 from vector<1x1x1xi32>
    %and3A = arith.constant 1023 : i32
    %and3A_20 = arith.andi %reduce_min3A_19, %and3A : i32
    %lt3A = arith.constant 1073741824 : i32
    %lt3A_21 = arith.cmpi slt, %reduce_min3A_14, %lt3A : i32
    %select_n3A = arith.select %lt3A_21, %reduce_min3A_14, %and3A_20 : i32
    %get3A_22 = arith.constant 0 : index
    %get3A_23 = arith.constant 0 : index
    %get3A_24 = arith.constant 0 : index
    %get3A_25 = arith.constant 0 : index
    %get3A_26 = vector.load %arg7[%get3A_22, %get3A_23, %get3A_24, %get3A_25] : memref<1x1x1x512xf32, #tpu.memory_space<vmem>>, vector<1x1x1x512xf32>
    %get3A_27 = vector.shape_cast %get3A_26 : vector<1x1x1x512xf32> to vector<1x512xf32>
    %iota3A = tpu.iota {dimensions = array<i32: 1>} : vector<1x512xi32>
    %mul3A = arith.constant 512 : i32
    %mul3A_28 = arith.muli %arg1, %mul3A : i32
    %add3A = vector.broadcast %mul3A_28 : i32 to vector<1x512xi32>
    %add3A_29 = arith.addi %iota3A, %add3A : vector<1x512xi32>
    %eq3A = vector.broadcast %select_n3A : i32 to vector<1x512xi32>
    %eq3A_30 = arith.cmpi eq, %add3A_29, %eq3A : vector<1x512xi32>
    %jit3A = arith.constant 0.000000e+00 : f32
    %broadcast_in_dim3A = vector.broadcast %jit3A : f32 to vector<1x512xf32>
    %select_n3A_31 = arith.select %eq3A_30, %broadcast_in_dim3A, %get3A_27 : vector<1x512xi1>, vector<1x512xf32>
    %get3A_32 = arith.constant 0 : index
    %get3A_33 = arith.constant 0 : index
    %get3A_34 = arith.constant 0 : index
    %get3A_35 = vector.load %arg9[%get3A_32, %get3A_33, %get3A_34] : memref<1x512x2048xf32, #tpu.memory_space<vmem>>, vector<1x512x2048xf32>
    %get3A_36 = vector.shape_cast %get3A_35 : vector<1x512x2048xf32> to vector<512x2048xf32>
    %dot_general3A = arith.constant dense<0.000000e+00> : vector<1x2048xf32>
    %dot_general3A_37 = tpu.matmul %select_n3A_31, %get3A_36, %dot_general3A {dimension_numbers = #tpu.dot_dimension_numbers<[1], [0], [0], [1], [0, 0, 1, 1], [], []>, transpose_lhs_hint = false} : vector<1x512xf32>, vector<512x2048xf32>, vector<1x2048xf32> -> vector<1x2048xf32>
    %eq3A_38 = arith.constant 0 : i32
    %eq3A_39 = arith.cmpi eq, %arg1, %eq3A_38 : i32
    %convert_element_type3A = arith.extui %eq3A_39 : i1 to i32
    %cond3A = arith.constant 0 : i32
    %cond3A_40 = arith.cmpi ne, %convert_element_type3A, %cond3A : i32
    scf.if %cond3A_40 {
      %swap3A = arith.constant 0 : index
      %swap3A_50 = arith.constant 0 : index
      %swap3A_51 = arith.constant 0 : index
      %swap3A_52 = vector.load %arg10[%swap3A, %swap3A_50, %swap3A_51] : memref<1x1x2048xf32, #tpu.memory_space<vmem>>, vector<1x1x2048xf32>
      %swap3A_53 = vector.shape_cast %swap3A_52 : vector<1x1x2048xf32> to vector<1x2048xf32>
      %swap3A_54 = vector.shape_cast %dot_general3A_37 : vector<1x2048xf32> to vector<1x1x2048xf32>
      tpu.vector_store %arg10[%swap3A, %swap3A_50, %swap3A_51], %swap3A_54 {strides = array<i32>} : memref<1x1x2048xf32, #tpu.memory_space<vmem>>, vector<1x1x2048xf32>,
    } else {
    }
    %gt3A = arith.constant 0 : i32
    %gt3A_41 = arith.cmpi sgt, %arg1, %gt3A : i32
    %convert_element_type3A_42 = arith.extui %gt3A_41 : i1 to i32
    %cond3A_43 = arith.constant 0 : i32
    %cond3A_44 = arith.cmpi ne, %convert_element_type3A_42, %cond3A_43 : i32
    scf.if %cond3A_44 {
      %get3A_50 = arith.constant 0 : index
      %get3A_51 = arith.constant 0 : index
      %get3A_52 = arith.constant 0 : index
      %get3A_53 = vector.load %arg10[%get3A_50, %get3A_51, %get3A_52] : memref<1x1x2048xf32, #tpu.memory_space<vmem>>, vector<1x1x2048xf32>
      %get3A_54 = vector.shape_cast %get3A_53 : vector<1x1x2048xf32> to vector<1x2048xf32>
      %add3A_55 = arith.addf %get3A_54, %dot_general3A_37 : vector<1x2048xf32>
      %swap3A = arith.constant 0 : index
      %swap3A_56 = arith.constant 0 : index
      %swap3A_57 = arith.constant 0 : index
      %swap3A_58 = vector.load %arg10[%swap3A, %swap3A_56, %swap3A_57] : memref<1x1x2048xf32, #tpu.memory_space<vmem>>, vector<1x1x2048xf32>
      %swap3A_59 = vector.shape_cast %swap3A_58 : vector<1x1x2048xf32> to vector<1x2048xf32>
      %swap3A_60 = vector.shape_cast %add3A_55 : vector<1x2048xf32> to vector<1x1x2048xf32>
      tpu.vector_store %arg10[%swap3A, %swap3A_56, %swap3A_57], %swap3A_60 {strides = array<i32>} : memref<1x1x2048xf32, #tpu.memory_space<vmem>>, vector<1x1x2048xf32>,
    } else {
    }
    %eq3A_45 = arith.constant 1 : i32
    %eq3A_46 = arith.cmpi eq, %arg1, %eq3A_45 : i32
    %convert_element_type3A_47 = arith.extui %eq3A_46 : i1 to i32
    %cond3A_48 = arith.constant 0 : i32
    %cond3A_49 = arith.cmpi ne, %convert_element_type3A_47, %cond3A_48 : i32
    scf.if %cond3A_49 {
      %eq3A_50 = vector.broadcast %reduce_min3A_19 : i32 to vector<1x16xi32>
      %eq3A_51 = arith.cmpi eq, %get3A_10, %eq3A_50 : vector<1x16xi32>
      %get3A_52 = arith.constant 0 : index
      %get3A_53 = arith.constant 0 : index
      %get3A_54 = arith.constant 0 : index
      %get3A_55 = vector.load %arg6[%get3A_52, %get3A_53, %get3A_54] : memref<1x1x16xf32, #tpu.memory_space<vmem>>, vector<1x1x16xf32>
      %get3A_56 = vector.shape_cast %get3A_55 : vector<1x1x16xf32> to vector<1x16xf32>
      %jit3A_57 = arith.constant 0.000000e+00 : f32
      %broadcast_in_dim3A_58 = vector.broadcast %jit3A_57 : f32 to vector<1x16xf32>
      %select_n3A_59 = arith.select %eq3A_51, %get3A_56, %broadcast_in_dim3A_58 : vector<1x16xi1>, vector<1x16xf32>
      %reduce_sum3A = vector.shape_cast %select_n3A_59 : vector<1x16xf32> to vector<1x1x16xf32>
      %reduce_sum3A_60 = arith.constant dense<0.000000e+00> : vector<1xf32>
      %reduce_sum3A_61 = vector.multi_reduction <add>, %reduce_sum3A, %reduce_sum3A_60 [1, 2] : vector<1x1x16xf32> to vector<1xf32>
      %reduce_sum3A_62 = vector.shape_cast %reduce_sum3A_61 : vector<1xf32> to vector<1x1x1xf32>
      %reduce_sum3A_63 = vector.extract %reduce_sum3A_62[0, 0, 0] : f32 from vector<1x1x1xf32>
      %lt3A_64 = arith.constant 1073741824 : i32
      %lt3A_65 = arith.cmpi slt, %reduce_min3A_14, %lt3A_64 : i32
      %jit3A_66 = arith.constant 0.000000e+00 : f32
      %select_n3A_67 = arith.select %lt3A_65, %jit3A_66, %reduce_sum3A_63 : f32
      %get3A_68 = arith.constant 0 : index
      %get3A_69 = arith.constant 0 : index
      %get3A_70 = arith.constant 0 : index
      %get3A_71 = vector.load %arg3[%get3A_68, %get3A_69, %get3A_70] : memref<1x1x16xf32, #tpu.memory_space<vmem>>, vector<1x1x16xf32>
      %get3A_72 = vector.shape_cast %get3A_71 : vector<1x1x16xf32> to vector<1x16xf32>
      %reduce_sum3A_73 = vector.shape_cast %get3A_72 : vector<1x16xf32> to vector<1x1x16xf32>
      %reduce_sum3A_74 = arith.constant dense<0.000000e+00> : vector<1xf32>
      %reduce_sum3A_75 = vector.multi_reduction <add>, %reduce_sum3A_73, %reduce_sum3A_74 [1, 2] : vector<1x1x16xf32> to vector<1xf32>
      %reduce_sum3A_76 = vector.shape_cast %reduce_sum3A_75 : vector<1xf32> to vector<1x1x1xf32>
      %reduce_sum3A_77 = vector.extract %reduce_sum3A_76[0, 0, 0] : f32 from vector<1x1x1xf32>
      %sub3A = arith.subf %reduce_sum3A_77, %select_n3A_67 : f32
      %add3A_78 = arith.addf %sub3A, %get3A_0 : f32
      %get3A_79 = arith.constant 0 : index
      %get3A_80 = arith.constant 0 : index
      %get3A_81 = arith.constant 0 : index
      %get3A_82 = vector.load %arg10[%get3A_79, %get3A_80, %get3A_81] : memref<1x1x2048xf32, #tpu.memory_space<vmem>>, vector<1x1x2048xf32>
      %get3A_83 = vector.shape_cast %get3A_82 : vector<1x1x2048xf32> to vector<1x2048xf32>
      %get3A_84 = arith.constant 0 : index
      %get3A_85 = arith.constant 0 : index
      %get3A_86 = arith.constant 0 : index
      %get3A_87 = vector.load %arg8[%get3A_84, %get3A_85, %get3A_86] : memref<1x1x2048xf32, #tpu.memory_space<vmem>>, vector<1x1x2048xf32>
      %get3A_88 = vector.shape_cast %get3A_87 : vector<1x1x2048xf32> to vector<1x2048xf32>
      %mul3A_89 = vector.broadcast %get3A_0 : f32 to vector<1x2048xf32>
      %mul3A_90 = arith.mulf %mul3A_89, %get3A_88 : vector<1x2048xf32>
      %add3A_91 = arith.addf %get3A_83, %mul3A_90 : vector<1x2048xf32>
      %max3A = arith.constant 9.99999996E-13 : f32
      %max3A_92 = arith.maximumf %add3A_78, %max3A : f32
      %div3A = vector.broadcast %max3A_92 : f32 to vector<1x2048xf32>
      %div3A_93 = arith.divf %add3A_91, %div3A : vector<1x2048xf32>
      %gt3A_94 = arith.constant 0.000000e+00 : f32
      %gt3A_95 = arith.cmpf ogt, %add3A_78, %gt3A_94 : f32
      %broadcast_in_dim3A_96 = arith.constant 0.000000e+00 : f32
      %broadcast_in_dim3A_97 = vector.broadcast %broadcast_in_dim3A_96 : f32 to vector<1x2048xf32>
      %select_n3A_98 = arith.select %gt3A_95, %div3A_93, %broadcast_in_dim3A_97 : vector<1x2048xf32>
      %swap3A = arith.constant 0 : index
      %swap3A_99 = arith.constant 0 : index
      %swap3A_100 = arith.constant 0 : index
      %swap3A_101 = vector.load %arg10[%swap3A, %swap3A_99, %swap3A_100] : memref<1x1x2048xf32, #tpu.memory_space<vmem>>, vector<1x1x2048xf32>
      %swap3A_102 = vector.shape_cast %swap3A_101 : vector<1x1x2048xf32> to vector<1x2048xf32>
      %swap3A_103 = vector.shape_cast %select_n3A_98 : vector<1x2048xf32> to vector<1x1x2048xf32>
      tpu.vector_store %arg10[%swap3A, %swap3A_99, %swap3A_100], %swap3A_103 {strides = array<i32>} : memref<1x1x2048xf32, #tpu.memory_space<vmem>>, vector<1x1x2048xf32>,
    } else {
    }
    return
  }
  func.func @transform_0(%arg0: i32, %arg1: i32) -> i32 {
    %c0_i32 = arith.constant 0 : i32
    %c0_i32_0 = arith.constant 0 : i32
    return %c0_i32 : i32
  }
  func.func @transform_1(%arg0: i32, %arg1: i32) -> (i32, i32, i32) {
    %c0_i32 = arith.constant 0 : i32
    %c0_i32_0 = arith.constant 0 : i32
    %c0_i32_1 = arith.constant 0 : i32
    return %arg0, %c0_i32, %c0_i32_0 : i32, i32, i32
  }
  func.func @transform_2(%arg0: i32, %arg1: i32) -> (i32, i32, i32) {
    %c0_i32 = arith.constant 0 : i32
    %c0_i32_0 = arith.constant 0 : i32
    %c0_i32_1 = arith.constant 0 : i32
    return %arg0, %c0_i32, %c0_i32_0 : i32, i32, i32
  }
  func.func @transform_3(%arg0: i32, %arg1: i32) -> (i32, i32, i32) {
    %c0_i32 = arith.constant 0 : i32
    %c0_i32_0 = arith.constant 0 : i32
    %c0_i32_1 = arith.constant 0 : i32
    return %arg0, %c0_i32, %c0_i32_0 : i32, i32, i32
  }
  func.func @transform_4(%arg0: i32, %arg1: i32) -> (i32, i32, i32) {
    %c0_i32 = arith.constant 0 : i32
    %c0_i32_0 = arith.constant 0 : i32
    %c0_i32_1 = arith.constant 0 : i32
    return %arg0, %c0_i32, %c0_i32_0 : i32, i32, i32
  }
  func.func @transform_5(%arg0: i32, %arg1: i32) -> (i32, i32, i32, i32) {
    %c0_i32 = arith.constant 0 : i32
    %c0_i32_0 = arith.constant 0 : i32
    %c0_i32_1 = arith.constant 0 : i32
    return %arg0, %arg1, %c0_i32, %c0_i32_0 : i32, i32, i32, i32
  }
  func.func @transform_6(%arg0: i32, %arg1: i32) -> (i32, i32, i32) {
    %c0_i32 = arith.constant 0 : i32
    %c0_i32_0 = arith.constant 0 : i32
    %c0_i32_1 = arith.constant 0 : i32
    return %arg0, %c0_i32, %c0_i32_0 : i32, i32, i32
  }
  func.func @transform_7(%arg0: i32, %arg1: i32) -> (i32, i32, i32) {
    %c0_i32 = arith.constant 0 : i32
    %c0_i32_0 = arith.constant 0 : i32
    return %arg0, %arg1, %c0_i32 : i32, i32, i32
  }
  func.func @transform_8(%arg0: i32, %arg1: i32) -> (i32, i32, i32) {
    %c0_i32 = arith.constant 0 : i32
    %c0_i32_0 = arith.constant 0 : i32
    %c0_i32_1 = arith.constant 0 : i32
    return %arg0, %c0_i32, %c0_i32_0 : i32, i32, i32
  }
}

</mosaic_0001>

<sc_bundles>
// kernel: kernel.4.cloned.1.call-start
scs
__scs_entry_jumppad:
0x0: {  	(pc) =	sbr.rel $0x88, $3  }
0x1: {  	(tag) =	ssettag $0x0;
	lr =	simm.s32 $0x1  }
0x2: {  	[smem:$0x3F9B] =	sst lr;
	_ =	strace $0xD0000000  }
0x3: {  	_ = 	snop  }
0x4: {  	_ = 	snop  }
0x5: {  	_ = 	snop  }
0x6: {  	_ = 	snop  }
0x7: {  	_ = 	snop  }
__scs_overlays_trampoline_lowered:
0x8: {  	[smem:$0x3FAA] =	sst s0  }
0x9: {  	[smem:$0x3FAB] =	sst s1  }
0xa: {  	[smem:$0x3FAC] =	sst s2  }
0xb: {  	[smem:$0x3FAD] =	sst s3  }
0xc: {  	[smem:$0x3FAE] =	sst s4  }
0xd: {  	[smem:$0x3FAF] =	sst s5  }
0xe: {  	[smem:$0x3FB0] =	sst s6  }
0xf: {  	[smem:$0x3FB1] =	sst s7  }
0x10: {  	[smem:$0x3FB2] =	sst s8  }
0x11: {  	[smem:$0x3FB3] =	sst s9;
	s0 =	simm.s32 @!p0 $0x0  }
0x12: {  	s1 =	sld [smem:$0x3F99];
	s0 =	simm.s32 @p0 $0x1  }
0x13: {  	[smem:$0x3FB4] =	sst s0;
	s0 =	simm.s32 @!p1 $0x0  }
0x14: {  	s2 =	sld [smem:$0x3F98];
	s0 =	simm.s32 @p1 $0x1  }
0x15: {  	[smem:$0x3FB5] =	sst s0;
	s0 =	simm.s32 @!p2 $0x0  }
0x16: {  	s3 =	sld [smem:$0x3FDB];
	s0 =	simm.s32 @p2 $0x1  }
0x17: {  	s4 =	simm.s32 $0x1BF5;
	[smem:$0x3FB7] =	sst s0  }
0x18: {  	s0 =	sld [smem:$0x3F9A];
	_ =	swait.ge [sflag:s4], $0x0  }
0x19: {  	s7 =	sld [smem:$0x3F9B]  }
0x1a: {  	s8 =	sadd.s32 $0xFFFFE003, lr  }
0x1b: {  	s9 =	sadd.s32 $0xFFFFFEF7, lr;
	s5 =	simm.s32 $0xFFFFFFFF;
	p2 =	slt.u32 s8, $0xFFFFF086  }
0x1c: {  	p1 =	slt.u32 s9, $0xF7A;
	s5 =	simm.s32 @!p2 $0x0  }
0x1d: {  	s5 =	simm.s32 @p1 $0x1;
	p0 =	seq.s32 s7, s2  }
0x1e: {  	s7 =	smul.u32 @!p0 $0xF7A, s2;
	p2 =	seq.s32 @!p0 s5, $0x0  }
0x1f: {  	s9 =	smul.u32 $0xF7A, s1;
	s8 =	simm.s32 @!p0 $0x1BF5;
	p2 =	por !p2, p0  }
0x20: {  	[sflag:s8] =	ssyncset.s32 @!p0 $0xFFFFF086;
	s6 =	sadd.s32 @!p0 s3, s7;
	s7 =	simm.s32 @!p0 $0x108  }
0x21: {  	s3 =	sadd.s32 s3, s9;
	s6 =	sadd.s32 @!p0 $0x88, s6;
	s7 =	simm.s32 @p2 $0x1082  }
0x22: {  	[simem:s7], [sflag:s8] =	dma.local @!p0 [hbm:s6], $0xF7A  }
0x23: {  	s9 =	sor.u32 $0xD0000000, s2;
	s6 =	simm.s32 $0x108;
	_ =	swait.ge @!p0 [sflag:s8], $0x0  }
0x24: {  	s3 =	sadd.s32 $0x88, s3;
	s6 =	simm.s32 @!p1 $0x1082;
	[sflag:s4] =	ssyncset.s32 $0xFFFFF086  }
0x25: {  	[simem:s6], [sflag:s4] =	dma.local [hbm:s3], $0xF7A  }
0x26: {  	[smem:$0x3F9B] =	sst s1;
	(tag) =	ssettag s2;
	_ =	strace s9  }
0x27: {  	s1 =	sld [smem:$0x3FAB]  }
0x28: {  	s2 =	sld [smem:$0x3FAC]  }
0x29: {  	s4 =	sld [smem:$0x3FAE]  }
0x2a: {  	p0 =	seq.s32 s5, $0x0;
	s5 =	sld [smem:$0x3FAF]  }
0x2b: {  	s6 =	sld [smem:$0x3FB0]  }
0x2c: {  	s7 =	sld [smem:$0x3FB1]  }
0x2d: {  	s3 =	simm.s32 $0x108;
	s8 =	sld [smem:$0x3FB2]  }
0x2e: {  	s3 =	simm.s32 @!p0 $0x1082;
	s9 =	sld [smem:$0x3FB3]  }
0x2f: {  	lr =	sadd.s32 s0, s3;
	s0 =	sld [smem:$0x3FAA]  }
0x30: {  	s3 =	sld [smem:$0x3FAD]  }
0x31: {  	[smem:$0x3FB6] =	sst s10  }
0x32: {  	s10 =	sld [smem:$0x3FB4];
	_ =	sdelay $0x3  }
0x33: {  	p0 =	seq.s32 s10, $0x1;
	s10 =	sld [smem:$0x3FB6];
	_ =	sdelay $0x3  }
0x34: {  	[smem:$0x3FB6] =	sst s10  }
0x35: {  	s10 =	sld [smem:$0x3FB5];
	_ =	sdelay $0x3  }
0x36: {  	p1 =	seq.s32 s10, $0x1;
	s10 =	sld [smem:$0x3FB6];
	_ =	sdelay $0x3  }
0x37: {  	[smem:$0x3FB6] =	sst s10  }
0x38: {  	s10 =	sld [smem:$0x3FB7]  }
0x39: {  	_ = 	snop;
	(pc) =	sbr.ind lr, $3  }
0x3a: {  	_ = 	snop  }
0x3b: {  	_ = 	snop  }
0x3c: {  	p2 =	seq.s32 s10, $0x1;
	s10 =	sld [smem:$0x3FB6]  }
0x3d: {  	_ =	shalt  }
0x3e: {  	_ =	shalt  }
0x3f: {  	_ =	shalt  }
0x40: {  	_ =	shalt  }
0x41: {  	_ =	shalt  }
0x42: {  	_ =	shalt  }
0x43: {  	_ =	shalt  }
0x44: {  	_ =	shalt  }
0x45: {  	_ =	shalt  }
0x46: {  	_ =	shalt  }
0x47: {  	_ =	shalt  }
0x48: {  	_ =	shalt  }
0x49: {  	_ =	shalt  }
0x4a: {  	_ =	shalt  }
0x4b: {  	_ =	shalt  }
0x4c: {  	_ =	shalt  }
0x4d: {  	_ =	shalt  }
0x4e: {  	_ =	shalt  }
0x4f: {  	_ =	shalt  }
0x50: {  	_ =	shalt  }
0x51: {  	_ =	shalt  }
0x52: {  	_ =	shalt  }
0x53: {  	_ =	shalt  }
0x54: {  	_ =	shalt  }
0x55: {  	_ =	shalt  }
0x56: {  	_ =	shalt  }
0x57: {  	_ =	shalt  }
0x58: {  	_ =	shalt  }
0x59: {  	_ =	shalt  }
0x5a: {  	_ =	shalt  }
0x5b: {  	_ =	shalt  }
0x5c: {  	_ =	shalt  }
0x5d: {  	_ =	shalt  }
0x5e: {  	_ =	shalt  }
0x5f: {  	_ =	shalt  }
0x60: {  	_ =	shalt  }
0x61: {  	_ =	shalt  }
0x62: {  	_ =	shalt  }
0x63: {  	_ =	shalt  }
0x64: {  	_ =	shalt  }
0x65: {  	_ =	shalt  }
0x66: {  	_ =	shalt  }
0x67: {  	_ =	shalt  }
0x68: {  	_ =	shalt  }
0x69: {  	_ =	shalt  }
0x6a: {  	_ =	shalt  }
0x6b: {  	_ =	shalt  }
0x6c: {  	_ =	shalt  }
0x6d: {  	_ =	shalt  }
0x6e: {  	_ =	shalt  }
0x6f: {  	_ =	shalt  }
0x70: {  	_ =	shalt  }
0x71: {  	_ =	shalt  }
0x72: {  	_ =	shalt  }
0x73: {  	_ =	shalt  }
0x74: {  	_ =	shalt  }
0x75: {  	_ =	shalt  }
0x76: {  	_ =	shalt  }
0x77: {  	_ =	shalt  }
0x78: {  	_ =	shalt  }
0x79: {  	_ =	shalt  }
0x7a: {  	_ =	shalt  }
0x7b: {  	_ =	shalt  }
0x7c: {  	_ =	shalt  }
0x7d: {  	_ =	shalt  }
0x7e: {  	_ =	shalt  }
0x7f: {  	_ =	shalt  }
0x80: {  	_ =	shalt  }
0x81: {  	_ =	shalt  }
0x82: {  	_ =	shalt  }
0x83: {  	_ =	shalt  }
0x84: {  	_ =	shalt  }
0x85: {  	_ =	shalt  }
0x86: {  	_ =	shalt  }
0x87: {  	_ =	shalt  }
.Lfunc_end0:
.L_simem_size_0:
called_computation_lowered:
.L_overlay_start_0:
0x88: {  	s2 =	sld [smem:$0x3FD9]  }
0x89: {  	s3 =	sld [smem:$0x3FFE];
	_ =	sdelay $0x1  }
0x8a: {  	s1 =	srdreg.scid  }
0x8b: {  	s0 =	sand.u32 $0x1, s1  }
0x8c: {  	s17 =	sshll.u32 s0, $0xA;
	s2 =	sadd.s32 s3, s2  }
0x8d: {  	s2 =	sadd.s32 s2, s17  }
0x8e: {  	[smem:$0x3FC2] =	sst s2  }
0x8f: {  	_ = 	snop  }
0x90: {  	s2 =	sld [smem:$0x3FC5]  }
0x91: {  	s18 =	sld [smem:$0x3FC4]  }
0x92: {  	s4 =	sld [smem:$0x3FD0];
	(tm) =	ssettm $0x1  }
0x93: {  	s5 =	sld [smem:$0x3FFB];
	_ =	sdelay $0x3  }
0x94: {  	_ =	strace s5  }
0x95: {  	s5 =	sld [smem:$0x3FFC];
	_ =	sdelay $0x3  }
0x96: {  	_ =	strace s5  }
0x97: {  	s5 =	sld [smem:$0x3FFD];
	_ =	sdelay $0x3  }
0x98: {  	_ =	strace s5  }
0x99: {  	_ =	strace $0x8FFFFFFF  }
0x9a: {  	s19 =	sld [smem:$0x3FDB];
	_ =	sdelay $0x1  }
0x9b: {  	s6 =	simm.s32 $_scs_section_size  }
0x9c: {  	s7 =	simm.s32 $_size__tile_overlayer_lowered;
	s8 =	simm.s32 $_tile_overlayer_lowered  }
0x9d: {  	s22 =	simm.s32 $0x1BFF;
	s21 =	sshll.u32 s8, $0x1;
	s5 =	sadd.s32 s6, s19  }
0x9e: {  	s9 =	simm.s32 $0x0;
	s20 =	sshll.u32 s7, $0x1;
	s7 =	sadd.s32 s21, s5  }
0x9f: {  	[timem:s9], [sflag:s22] =	dma.local [hbm:s7], s20  }
0xa0: {  	_ =	swait.ge [sflag:s22], s20  }
0xa1: {  	s6 =	ssub.s32 $0x0, s20;
	[sflag:s22] =	ssyncset.done $0x0  }
0xa2: {  	[sflag:s22] =	ssyncadd.s32 s6;
	_ =	sdelay $0x1  }
0xa3: {  	s23 =	simm.s32 $0x1B8B  }
0xa4: {  	_ =	swait.ge [sflag:s23], $0x1  }
0xa5: {  	[sflag:s23] =	ssyncset.done $0x0  }
0xa6: {  	s25 =	simm.s32 $0x1B8E;
	s24 =	sld [smem:$0x3FFE];
	[sflag:s23] =	ssyncadd.s32 $0xFFFFFFFF  }
0xa7: {  	s26 =	simm.s32 $execute0_lowered;
	[smem:$0x3FD2] =	sst s25  }
0xa8: {  	s7 =	sshll.u32 s26, $0x1;
	_ =	strace $0x80000046;
	[dreg:$0x1] =	wrdreg $0xFFFFFFFF  }
0xa9: {  	s28 =	simm.s32 $_size_execute0_lowered;
	s5 =	sadd.s32 s5, s7;
	[dreg:$0x0] =	wrdreg $0x0  }
0xaa: {  	s7 =	sshll.u32 s28, $0x1;
	[dreg:$0x2] =	wrdreg s5  }
0xab: {  	[dreg:$0x3] =	wrdreg s7  }
0xac: {  	[dreg:$0x4] =	wrdreg $0xC0  }
0xad: {  	_ =	task [dreg:s9], $0x5FFFF  }
0xae: {  	[dreg:$0x1] =	wrdreg $0xFFFFFFFF  }
0xaf: {  	[dreg:$0x0] =	wrdreg $0x60  }
0xb0: {  	[dreg:$0x2] =	wrdreg s24  }
0xb1: {  	[dreg:$0x3] =	wrdreg s2  }
0xb2: {  	[dreg:$0x4] =	wrdreg s18  }
0xb3: {  	[dreg:$0x5] =	wrdreg s4  }
0xb4: {  	[dreg:$0x6] =	wrdreg $0x9  }
0xb5: {  	_ =	task.clear_ibuf [dreg:s9], $0x7FFFF;
	_ =	strace $0x90000046  }
0xb6: {  	s29 =	simm.s32 $0x9;
	_ =	strace $0x80000048  }
0xb7: {  	_ =	swait.ge [sflag:s29], $0x1  }
0xb8: {  	[sflag:s29] =	ssyncadd.s32 $0xFFFFFFFF  }
0xb9: {  	_ =	strace $0x90000048  }
0xba: {  	_ =	sfence  }
0xbb: {  	s30 =	sld [smem:$0x0];
	_ =	sdelay $0x2  }
0xbc: {  	s31 =	sshll.u32 s1, $0xD;
	s1 =	sshrl.u32 s1, $0x2  }
0xbd: {  	s3 =	sand.u32 $0x4000, s31;
	s1 =	sadd.s32 s1, s30  }
0xbe: {  	s0 =	sor.u32 s3, s0;
	s1 =	sshll.u32 s1, $0x11  }
0xbf: {  	s0 =	sor.u32 s1, s0  }
0xc0: {  	s0 =	sadd.s32 $0x8F2B, s0  }
0xc1: {  	[sflag:s0] =	ssyncadd.remote.s32 $0x1  }
0xc2: {  	_ =	sfence.sel $0xFFFF  }
0xc3: {  	[dreg:$0x0] =	wrdreg $0xFFFFFFFF;
	(pc) =	sbr.abs _section_cstart, $3  }
0xc4: {  	[dreg:$0x1] =	wrdreg $0xFFFFFFFF  }
0xc5: {  	_ =	task.clear_ibuf [dreg:s9], $0x2FFFF;
	_ =	strace $0x9FFFFFFF  }
0xc6: {  	(tm) =	ssettm $0x7FFFFFFF  }
0xc7: {  	_ =	shalt  }
tec
execute0_lowered:
.L_overlay_start_1:
0x0: {  	(tag) =	ssettag $0x1  }
0x1: {  	s4 =	rddreg [dreg:$0x0]  }
0x2: {  	s5 =	rddreg [dreg:$0x1]  }
0x3: {  	s6 =	rddreg [dreg:$0x2]  }
0x4: {  	s7 =	rddreg [dreg:$0x3]  }
0x5: {  	s1 =	srdreg.scid;
	s0 =	rddreg [dreg:$0x4]  }
0x6: {  	s2 =	simm.s32 $0x0;
	s13 =	simm.s32 $0x1;
	s14 =	simm.s32 $0x80  }
0x7: {  	s15 =	simm.s32 $0x400;
	s16 =	simm.s32 $0x800;
	s17 =	simm.s32 $0xC80  }
0x8: {  	s18 =	simm.s32 $0x0;
	s8 =	sand.u32 $0x1, s1;
	[smem:$0x7FF] =	sst s2  }
0x9: {  	s1 =	stileid.u32;
	s3 =	sshll.u32 s8, $0x4;
	_ =	strace $0x80000047  }
0xa: {  	s10 =	sshll.u32 s1, $0x7;
	s8 =	ssub.s32 $0x2, s8;
	s3 =	sor.u32 s1, s3  }
0xb: {  	s10 =	sand.u32 $0x380, s10;
	s12 =	sshrl.u32 s8, $0x1;
	s9 =	sshrl.u32 s3, $0x3  }
0xc: {  	s3 =	sadd.s32 $0x1200, s4;
	s11 =	sshll.u32 s9, $0xA;
	s9 =	sshll.u32 s9, $0xD  }
0xd: {  	s30 =	ssub.s32 s8, s12;
	s11 =	sor.u32 s10, s11;
	s9 =	sor.u32 s10, s9  }
0xe: {  	s12 =	simm.s32 $0xC00;
	s11 =	sshrl.u32 s11, $0x3;
	s31 =	sshrl.u32 s9, $0x3  }
0xf: {  	s29 =	sadd.s32 s11, s4;
	s4 =	sadd.s32 s5, s31;
	s5 =	sadd.s32 s6, s31  }
0x10: {  	s6 =	sadd.s32 s7, s31;
	s11 =	smax.u32 s30, $0x1;
	s7 =	sadd.s32 $0x1400, s29  }
0x11: {  	v0 =	vlaneseq.u32;
	s8 =	sadd.s32 $0x1600, s29;
	s9 =	sadd.s32 $0x1800, s29;
	s10 =	sadd.s32 $0x1A00, s29  }
.LBB2_1:
0x12: {  	[tilespmem:s12], [sflag:$0x1] =	stream.linear.gather [hbm4b:s3+s2], $0x80, $0x38;
	[tilespmem:$0xD00] =	vst v63  }
0x13: {  	_ =	swait.ge [sflag:s13], $0x80  }
0x14: {  	[sflag:s13] =	ssyncset.done $0x0  }
0x15: {  	[sflag:s13] =	ssyncadd.s32 $0xFFFFFF80  }
0x16: {  	[tilespmem:s2], [sflag:$0x1] =	stream.strided.gather [hbm4b:s4+s14], $0x400, s15, s14, $0x38;
	[tilespmem:$0xD00] =	vst v63  }
0x17: {  	_ =	swait.ge [sflag:s13], $0x400  }
0x18: {  	[sflag:s13] =	ssyncset.done $0x0  }
0x19: {  	[sflag:s13] =	ssyncadd.s32 $0xFFFFFC00  }
0x1a: {  	[tilespmem:s15], [sflag:$0x1] =	stream.strided.gather [hbm4b:s5+s14], $0x400, s15, s14, $0x38;
	[tilespmem:$0xD00] =	vst v63  }
0x1b: {  	_ =	swait.ge [sflag:s13], $0x400  }
0x1c: {  	[sflag:s13] =	ssyncset.done $0x0  }
0x1d: {  	[sflag:s13] =	ssyncadd.s32 $0xFFFFFC00  }
0x1e: {  	v1 =	vld [tilespmem:$0xC00]  }
0x1f: {  	v2 =	vld [tilespmem:s2+$0x0];
	_ =	sdelay $0x4  }
0x20: {  	v1 =	vsub.s32 v1, v2  }
0x21: {  	vm0 =	vgt.s32 v1, $0x0  }
0x22: {  	v1 =	vnsel vm0, $0x0, v1  }
0x23: {  	v1 =	vcvt.s32.f32 v1;
	_ =	sdelay $0x1  }
0x24: {  	v1 =	vmul.f32 $-2.707606180e-03, v1;
	_ =	sdelay $0x1  }
0x25: {  	v1 =	vmul.f32 $1.442695020e+00, v1;
	_ =	sdelay $0x1  }
0x26: {  	(erf) = vpow2.f32 v1;
	_ =	sdelay $0x4  }
0x27: {  	v1 =	vld [tilespmem:s15+$0x0];
	_ =	sdelay $0x3  }
0x28: {  	v3 =	vpop (erf)  }
0x29: {  	v4 =	vimm.s32 $0x40000000;
	v5 =	vor.u32 s2, v0;
	v1 =	vmul.f32 v3, v1  }
0x2a: {  	vm13 =	veq.s32 v2, $0xFFFFFFFF;
	vm1 =	vgt.s32 v2, $0xFFFFFFFF;
	v3 =	vshll.u32 v2, $0xA  }
0x2b: {  	v2 =	vadd.s32 v5, v3;
	v3 =	vnsel vm13, $0x40000000, v5;
	v7 =	vnsel vm1, $0x0, v1  }
0x2c: {  	v8 =	vimm.f32 $0.0e+00;
	v1 =	vadd.s32 $0x800, v2;
	vm0 =	vlt.s32 v4, v3;
	[tilespmem:s16+$0x0] =	vst v7  }
0x2d: {  	s19 =	simm.s32 $0x10;
	s22 =	simm.s32 $0x20;
	vm14 =	vlt.s32 v4, v1;
	v3 =	vsel vm0, v4, v3;
	vm15 =	vlt.s32 v1, v4;
	v6 =	vld [tilespmem:$0xC00]  }
0x2e: {  	s21 =	simm.s32 $0x400;
	s20 =	simm.s32 $0x800;
	s23 =	simm.s32 $0x10;
	v5 =	vadd.f32 v7, v8;
	v1 =	vsel vm14, v4, v1;
	v2 =	vsel vm15, v7, v8;
	v4 =	vld [tilespmem:s19+$0x0]  }
.LBB2_2:
0x2f: {  	p0 =	sne.s32 s22, $0x3F0;
	_ =	sdelay $0x2  }
0x30: {  	v7 =	vor.u32 s19, v0;
	s19 =	smov.u32 s22  }
0x31: {  	v6 =	vsub.s32 v6, v4;
	v8 =	vshll.u32 v4, $0xA;
	vm0 =	veq.s32 v4, $0xFFFFFFFF  }
0x32: {  	vm1 =	vgt.s32 v6, $0x0;
	v8 =	vadd.s32 v7, v8;
	v7 =	vnsel vm0, $0x40000000, v7  }
0x33: {  	v6 =	vnsel vm1, $0x0, v6;
	v8 =	vadd.s32 $0x800, v8;
	vm0 =	vlt.s32 v3, v7  }
0x34: {  	v6 =	vcvt.s32.f32 v6;
	vm1 =	vlt.s32 v1, v8;
	v3 =	vsel vm0, v3, v7  }
0x35: {  	vm0 =	vlt.s32 v8, v1;
	v1 =	vsel vm1, v1, v8  }
0x36: {  	v6 =	vmul.f32 $-2.707606180e-03, v6;
	_ =	sdelay $0x1  }
0x37: {  	v6 =	vmul.f32 $1.442695020e+00, v6;
	_ =	sdelay $0x1  }
0x38: {  	(erf) = vpow2.f32 v6;
	_ =	sdelay $0x3  }
0x39: {  	s21 =	sadd.s32 $0x10, s21  }
0x3a: {  	v6 =	vld [tilespmem:s21+$0x0];
	_ =	sdelay $0x3  }
0x3b: {  	v7 =	vpop (erf)  }
0x3c: {  	v6 =	vmul.f32 v7, v6  }
.Ltmp0:
0x3d: {  	vm1 =	vgt.s32 v4, $0xFFFFFFFF;
	(pc) =	sbr.rel @p0 .LBB2_2-.Ltmp0, $4  }
0x3e: {  	s20 =	sadd.s32 $0x10, s20;
	v4 =	vnsel vm1, $0x0, v6  }
0x3f: {  	[tilespmem:s20+$0x0] =	vst v4;
	v5 =	vadd.f32 v4, v5;
	v2 =	vsel vm0, v4, v2  }
0x40: {  	s23 =	sadd.s32 $0x10, s23;
	v6 =	vld [tilespmem:$0xC00]  }
0x41: {  	s22 =	sadd.s32 $0x10, s22;
	v4 =	vld [tilespmem:s23+$0x0]  }
0x42: {  	_ =	sdelay $0x3  }
0x43: {  	v6 =	vsub.s32 v6, v4  }
0x44: {  	vm0 =	vgt.s32 v6, $0x0  }
0x45: {  	v6 =	vnsel vm0, $0x0, v6  }
0x46: {  	v6 =	vcvt.s32.f32 v6;
	_ =	sdelay $0x1  }
0x47: {  	v6 =	vmul.f32 $-2.707606180e-03, v6;
	_ =	sdelay $0x1  }
0x48: {  	v6 =	vmul.f32 $1.442695020e+00, v6;
	_ =	sdelay $0x1  }
0x49: {  	(erf) = vpow2.f32 v6;
	_ =	sdelay $0x3  }
0x4a: {  	s21 =	sadd.s32 $0x10, s21  }
0x4b: {  	v60 =	vld [tilespmem:s21+$0x0];
	_ =	sdelay $0x3  }
0x4c: {  	v7 =	vpop (erf)  }
0x4d: {  	v6 =	vmul.f32 v7, v60  }
0x4e: {  	vm12 =	vgt.s32 v4, $0xFFFFFFFF  }
0x4f: {  	s20 =	sadd.s32 $0x10, s20;
	v6 =	vnsel vm12, $0x0, v6  }
0x50: {  	[tilespmem:s20+$0x0] =	vst v6  }
0x51: {  	[hbm4b:s6+s14] =	stream.strided.scatter [tilespmem:s16], [sflag:$0x1], $0x400, s15, s14, $0x38;
	[tilespmem:$0xD00] =	vst v63  }
0x52: {  	_ =	swait.ge [sflag:s13], $0x400  }
0x53: {  	v5 =	vadd.f32 v6, v5;
	[sflag:s13] =	ssyncset.done $0x0  }
0x54: {  	[sflag:s13] =	ssyncadd.s32 $0xFFFFFC00  }
0x55: {  	v61 =	vor.u32 s19, v0;
	v8 =	vshll.u32 v4, $0xA;
	[tilespmem:$0xC80] =	vst v5  }
0x56: {  	v62 =	vadd.s32 v61, v8;
	[hbm4b:s7+s2] =	stream.linear.scatter [tilespmem:s17], [sflag:$0x1], $0x80, $0x38;
	[tilespmem:$0xD00] =	vst v63  }
0x57: {  	v5 =	vadd.s32 $0x800, v62;
	_ =	swait.ge [sflag:s13], $0x80  }
0x58: {  	vm13 =	vlt.s32 v1, v5;
	[sflag:s13] =	ssyncset.done $0x0  }
0x59: {  	v63 =	vsel vm13, v1, v5;
	[sflag:s13] =	ssyncadd.s32 $0xFFFFFF80  }
0x5a: {  	[tilespmem:$0xC00] =	vst v63  }
0x5b: {  	vm14 =	veq.s32 v4, $0xFFFFFFFF;
	[hbm4b:s8+s2] =	stream.linear.scatter [tilespmem:s12], [sflag:$0x1], $0x80, $0x38;
	[tilespmem:$0xD00] =	vst v63  }
0x5c: {  	v4 =	vnsel vm14, $0x40000000, v61;
	_ =	swait.ge [sflag:s13], $0x80  }
0x5d: {  	vm0 =	vlt.s32 v3, v4;
	[sflag:s13] =	ssyncset.done $0x0  }
0x5e: {  	v3 =	vsel vm0, v3, v4;
	[sflag:s13] =	ssyncadd.s32 $0xFFFFFF80  }
0x5f: {  	[tilespmem:$0xC00] =	vst v3  }
0x60: {  	[hbm4b:s9+s2] =	stream.linear.scatter [tilespmem:s12], [sflag:$0x1], $0x80, $0x38;
	[tilespmem:$0xD00] =	vst v63  }
0x61: {  	_ =	swait.ge [sflag:s13], $0x80  }
0x62: {  	s18 =	sadd.s32 $0x1, s18;
	vm15 =	vlt.s32 v5, v1;
	[sflag:s13] =	ssyncset.done $0x0  }
0x63: {  	p0 =	sne.s32 s18, s11;
	v1 =	vsel vm15, v6, v2;
	[sflag:s13] =	ssyncadd.s32 $0xFFFFFF80  }
.Ltmp1:
0x64: {  	[tilespmem:$0xC80] =	vst v1;
	(pc) =	sbr.rel @p0 .LBB2_1-.Ltmp1, $4  }
0x65: {  	[hbm4b:s10+s2] =	stream.linear.scatter [tilespmem:s17], [sflag:$0x1], $0x80, $0x38;
	[tilespmem:$0xD00] =	vst v63  }
0x66: {  	_ =	swait.ge [sflag:s13], $0x80  }
0x67: {  	[sflag:s13] =	ssyncset.done $0x0  }
0x68: {  	[sflag:s13] =	ssyncadd.s32 $0xFFFFFF80  }
0x69: {  	_ =	sfence.sel $0x180000  }
0x6a: {  	[bflag:$0x0] =	sbarrier.arrive $0xFFFF  }
0x6b: {  	p0 =	sne.s32 s1, $0x0;
	_ =	strace $0x90000047  }
0x6c: {  	s0 =	sadd.s32 @!p0 $0x100000, s0;
	[bflag:$0x2] =	sbarrier.arrive $0xFFFF  }
0x6d: {  	[sflag:s0] =	ssyncadd.tile.s32 @!p0 $0x1;
	_ =	shalt  }
.Lfunc_end2:
_tile_overlayer_lowered:
.L_overlay_start_2:
0x6e: {  	(tag) =	ssettag $0x2  }
0x6f: {  	s0 =	rddreg [dreg:$0x0];
	s2 =	stileid.u32  }
0x70: {  	s1 =	rddreg [dreg:$0x1];
	p0 =	sne.s32 s2, $0x0  }
0x71: {  	s3 =	rddreg [dreg:$0x2];
	[bflag:$0x3] =	sbarrier.arrive $0xFFFF;
	s2 =	simm.s32 @!p0 $0x1C01  }
0x72: {  	[timem:s3], [sflag:s2] =	dma.local @!p0 [hbm:s0], s1  }
0x73: {  	s0 =	simm.s32 @!p0 $0x1  }
0x74: {  	_ =	swait.ge @!p0 [sflag:s0], s1  }
0x75: {  	s1 =	ssub.s32 @!p0 $0x0, s1;
	[sflag:s0] =	ssyncset.done @!p0 $0x0  }
0x76: {  	[sflag:s0] =	ssyncadd.s32 @!p0 s1  }
0x77: {  	[bflag:$0x3] =	sbarrier.arrive $0xFFFF  }
0x78: {  	_ =	shalt  }

</sc_bundles>
